<compile_context>
chip_gen: v7x
topology: tpu7x:2x2x1
jax: 0.10.2.dev20260603
libtpu: 0.0.44.dev20260713+nightly
codegen_flags: <defaults>
</compile_context>

<pallas_src>
import functools

import jax
import jax.numpy as jnp
from jax import lax
from jax.experimental import pallas as pl
from jax.experimental.pallas import tpu as pltpu
from jax.experimental.pallas import tpu_sc as plsc

DIM = 16
LANES = 16


@functools.lru_cache(maxsize=None)
def _make_kernel(total_rows):
    info = plsc.get_sparse_core_info()
    nw = info.num_cores * info.num_subcores
    n = total_rows // nw
    g = 128
    kg = 8
    chunk = g * kg
    nchunk = n // chunk
    assert n % chunk == 0 and total_rows % nw == 0

    mesh = plsc.VectorSubcoreMesh(core_axis_name="c", subcore_axis_name="s")

    @functools.partial(
        pl.kernel,
        mesh=mesh,
        compiler_params=pltpu.CompilerParams(
            needs_layout_passes=False, use_tc_tiling_on_sc=False),
        out_type=jax.ShapeDtypeStruct((total_rows, DIM), jnp.float32),
        scratch_types=[
            pltpu.VMEM((n,), jnp.int32),
            pltpu.VMEM((chunk, DIM), jnp.float32),
            pltpu.SemaphoreType.DMA,
        ],
    )
    def k(idx_hbm, table_hbm, out_hbm, idx_v, rows_v, sem):
        wid = lax.axis_index("s") * info.num_cores + lax.axis_index("c")
        base = wid * n
        pltpu.sync_copy(idx_hbm.at[pl.ds(base, n)], idx_v)

        def chunk_body(c, carry):
            cbase = c * chunk
            copies = []
            for b in range(kg):
                copies.append(pltpu.async_copy(
                    table_hbm.at[idx_v.at[pl.ds(cbase + b * g, g)]],
                    rows_v.at[pl.ds(b * g, g), :],
                    sem))
            for cp in copies:
                cp.wait()

            iota = lax.iota(jnp.int32, LANES)
            zeros = jnp.zeros((LANES,), jnp.float32)

            def group_body(j, inner):
                keys = idx_v[pl.ds(cbase + j * LANES, LANES)]
                m = keys == 0
                rvec = j * LANES + iota
                for col in range(DIM):
                    plsc.store_scatter(
                        rows_v,
                        [rvec, jnp.full((LANES,), col, jnp.int32)],
                        zeros, mask=m)
                return inner

            lax.fori_loop(0, chunk // LANES, group_body, 0)
            pltpu.sync_copy(rows_v, out_hbm.at[pl.ds(base + cbase, chunk), :])
            return carry

        lax.fori_loop(0, nchunk, chunk_body, 0)

    return k


def kernel(input, table):
    b, w = input.shape
    idx = input.reshape(-1).astype(jnp.int32)
    out = _make_kernel(b * w)(idx, table)
    return out.reshape(b, w, DIM)

# --- scband reference (transcript-rebuilt; emitter-appended) ---
"""Pipeline reference for scband-embedding-30863634989537 (READ-ONLY COPY).

The authoritative reference and input builder live on the scoring server;
editing this copy changes nothing except your own understanding.
"""

import jax, jax.numpy as jnp
import numpy as np

VOCAB = 1000000
DIM = 16
BATCH = 16384
WIDTH = 26

def setup_inputs(seed: int = 0) -> dict:
    key = jax.random.key(seed)
    k1, k2 = jax.random.split(key)
    inp = jax.random.randint(k1, (BATCH, WIDTH), 0, VOCAB, dtype=jnp.int64 if jax.config.jax_enable_x64 else jnp.int32)
    table = jax.random.normal(k2, (VOCAB, DIM), dtype=jnp.float32) * 0.05
    return {"input": inp, "table": table}

def reference(input, table):
    # Faithful translation of Embedding.forward:
    # pull weights for each key, write zeros where key == 0.
    vals = jnp.take(table, input, axis=0)  # (B, W, dim) gather
    mask = (input != 0)[..., None].astype(vals.dtype)
    return vals * mask

if __name__ == "__main__":
    import jax
    _d = setup_inputs()
    print(jax.jit(kernel)(*tuple(_d.values())))

</pallas_src>

<mosaic_0001>
#map = affine_map<(d0, d1) -> (0)>
#map1 = affine_map<(d0, d1) -> (0, 0)>
module attributes {stable_mosaic.version = 14 : i64} {
  func.func @k(%arg0: i32, %arg1: i32, %arg2: memref<425984xi32, #tpu.memory_space<hbm>>, %arg3: memref<1000000x16xf32, #tpu.memory_space<hbm>>, %arg4: memref<425984x16xf32, #tpu.memory_space<hbm>>, %arg5: memref<13312xi32, #tpu.memory_space<vmem>>, %arg6: memref<1024x16xf32, #tpu.memory_space<vmem>>, %arg7: memref<!tpu.dma_semaphore, #tpu.memory_space<semaphore_mem>>) attributes {dimension_semantics = [#tpu.dimension_semantics<core_parallel>, #tpu.dimension_semantics<subcore_parallel>], iteration_bounds = array<i64: 2, 16>, scalar_prefetch = 0 : i64, scratch_operands = 3 : i64, tpu.core_type = #tpu.core_type<sc_vector_subcore>, window_params = [{transform_indices = #map}, {transform_indices = #map1}, {transform_indices = #map1}]} {
    %mul3A = arith.constant 2 : i32
    %mul3A_0 = arith.muli %arg1, %mul3A : i32
    %add3A = arith.addi %mul3A_0, %arg0 : i32
    %mul3A_1 = arith.constant 13312 : i32
    %mul3A_2 = arith.muli %add3A, %mul3A_1 : i32
    "tpu.region"() ({
      %run_scoped3A = tpu.sem_alloc : memref<!tpu.dma_semaphore, #tpu.memory_space<semaphore_mem>>
      %dma_start3A = tpu.memref_slice %arg2[%mul3A_2] : memref<425984xi32, #tpu.memory_space<hbm>> -> memref<13312xi32, #tpu.memory_space<hbm>>
      %dma_start3A_8 = tpu.memref_slice %arg2[%mul3A_2] : memref<425984xi32, #tpu.memory_space<hbm>> -> memref<13312xi32, #tpu.memory_space<hbm>>
      tpu.enqueue_dma source(%dma_start3A_8 : memref<13312xi32, #tpu.memory_space<hbm>>) target(%arg5 : memref<13312xi32, #tpu.memory_space<vmem>>) target_semaphore(%run_scoped3A : memref<!tpu.dma_semaphore, #tpu.memory_space<semaphore_mem>>)
      %dma_wait3A = tpu.memref_slice %arg2[%mul3A_2] : memref<425984xi32, #tpu.memory_space<hbm>> -> memref<13312xi32, #tpu.memory_space<hbm>>
      %dma_wait3A_9 = tpu.memref_slice %arg2[%mul3A_2] : memref<425984xi32, #tpu.memory_space<hbm>> -> memref<13312xi32, #tpu.memory_space<hbm>>
      tpu.wait_dma2 semaphore(%run_scoped3A : memref<!tpu.dma_semaphore, #tpu.memory_space<semaphore_mem>>) src(%dma_wait3A_9 : memref<13312xi32, #tpu.memory_space<hbm>>) dst(%arg5 : memref<13312xi32, #tpu.memory_space<vmem>>)
      tpu.yield
    }) : () -> ()
    %scan3A = arith.constant 0 : i32
    %scan3A_3 = arith.constant 0 : i32
    %scan3A_4 = arith.constant 13 : i32
    %scan3A_5 = arith.addi %scan3A_3, %scan3A_4 : i32
    %scan3A_6 = arith.constant 1 : i32
    scf.for %scan3A_8 = %scan3A_3 to %scan3A_5 step %scan3A_6  : i32 {
      %mul3A_9 = arith.constant 1024 : i32
      %mul3A_10 = arith.muli %scan3A_8, %mul3A_9 : i32
      %add3A_11 = arith.constant 0 : i32
      %add3A_12 = arith.addi %mul3A_10, %add3A_11 : i32
      %dma_start3A = arith.constant 0 : i32
      %dma_start3A_13 = arith.constant 0 : i32
      %dma_start3A_14 = tpu.memref_slice %arg6[%dma_start3A, %dma_start3A_13] : memref<1024x16xf32, #tpu.memory_space<vmem>> -> memref<128x16xf32, #tpu.memory_space<vmem>>
      %dma_start3A_15 = tpu.memref_slice %arg5[%add3A_12] : memref<13312xi32, #tpu.memory_space<vmem>> -> memref<128xi32, #tpu.memory_space<vmem>>
      %dma_start3A_16 = arith.constant 0 : i32
      %dma_start3A_17 = arith.constant 0 : i32
      %dma_start3A_18 = tpu.memref_slice %arg3[%dma_start3A_16, %dma_start3A_17] : memref<1000000x16xf32, #tpu.memory_space<hbm>> -> memref<1000000x16xf32, #tpu.memory_space<hbm>>
      tpu.enqueue_indirect_dma source(%dma_start3A_18 : memref<1000000x16xf32, #tpu.memory_space<hbm>>) target(%dma_start3A_14 : memref<128x16xf32, #tpu.memory_space<vmem>>) offsets(%dma_start3A_15 : memref<128xi32, #tpu.memory_space<vmem>>) semaphore(%arg7 : memref<!tpu.dma_semaphore, #tpu.memory_space<semaphore_mem>>)
      %add3A_19 = arith.constant 128 : i32
      %add3A_20 = arith.addi %mul3A_10, %add3A_19 : i32
      %dma_start3A_21 = arith.constant 128 : i32
      %dma_start3A_22 = arith.constant 0 : i32
      %dma_start3A_23 = tpu.memref_slice %arg6[%dma_start3A_21, %dma_start3A_22] : memref<1024x16xf32, #tpu.memory_space<vmem>> -> memref<128x16xf32, #tpu.memory_space<vmem>>
      %dma_start3A_24 = tpu.memref_slice %arg5[%add3A_20] : memref<13312xi32, #tpu.memory_space<vmem>> -> memref<128xi32, #tpu.memory_space<vmem>>
      %dma_start3A_25 = arith.constant 0 : i32
      %dma_start3A_26 = arith.constant 0 : i32
      %dma_start3A_27 = tpu.memref_slice %arg3[%dma_start3A_25, %dma_start3A_26] : memref<1000000x16xf32, #tpu.memory_space<hbm>> -> memref<1000000x16xf32, #tpu.memory_space<hbm>>
      tpu.enqueue_indirect_dma source(%dma_start3A_27 : memref<1000000x16xf32, #tpu.memory_space<hbm>>) target(%dma_start3A_23 : memref<128x16xf32, #tpu.memory_space<vmem>>) offsets(%dma_start3A_24 : memref<128xi32, #tpu.memory_space<vmem>>) semaphore(%arg7 : memref<!tpu.dma_semaphore, #tpu.memory_space<semaphore_mem>>)
      %add3A_28 = arith.constant 256 : i32
      %add3A_29 = arith.addi %mul3A_10, %add3A_28 : i32
      %dma_start3A_30 = arith.constant 256 : i32
      %dma_start3A_31 = arith.constant 0 : i32
      %dma_start3A_32 = tpu.memref_slice %arg6[%dma_start3A_30, %dma_start3A_31] : memref<1024x16xf32, #tpu.memory_space<vmem>> -> memref<128x16xf32, #tpu.memory_space<vmem>>
      %dma_start3A_33 = tpu.memref_slice %arg5[%add3A_29] : memref<13312xi32, #tpu.memory_space<vmem>> -> memref<128xi32, #tpu.memory_space<vmem>>
      %dma_start3A_34 = arith.constant 0 : i32
      %dma_start3A_35 = arith.constant 0 : i32
      %dma_start3A_36 = tpu.memref_slice %arg3[%dma_start3A_34, %dma_start3A_35] : memref<1000000x16xf32, #tpu.memory_space<hbm>> -> memref<1000000x16xf32, #tpu.memory_space<hbm>>
      tpu.enqueue_indirect_dma source(%dma_start3A_36 : memref<1000000x16xf32, #tpu.memory_space<hbm>>) target(%dma_start3A_32 : memref<128x16xf32, #tpu.memory_space<vmem>>) offsets(%dma_start3A_33 : memref<128xi32, #tpu.memory_space<vmem>>) semaphore(%arg7 : memref<!tpu.dma_semaphore, #tpu.memory_space<semaphore_mem>>)
      %add3A_37 = arith.constant 384 : i32
      %add3A_38 = arith.addi %mul3A_10, %add3A_37 : i32
      %dma_start3A_39 = arith.constant 384 : i32
      %dma_start3A_40 = arith.constant 0 : i32
      %dma_start3A_41 = tpu.memref_slice %arg6[%dma_start3A_39, %dma_start3A_40] : memref<1024x16xf32, #tpu.memory_space<vmem>> -> memref<128x16xf32, #tpu.memory_space<vmem>>
      %dma_start3A_42 = tpu.memref_slice %arg5[%add3A_38] : memref<13312xi32, #tpu.memory_space<vmem>> -> memref<128xi32, #tpu.memory_space<vmem>>
      %dma_start3A_43 = arith.constant 0 : i32
      %dma_start3A_44 = arith.constant 0 : i32
      %dma_start3A_45 = tpu.memref_slice %arg3[%dma_start3A_43, %dma_start3A_44] : memref<1000000x16xf32, #tpu.memory_space<hbm>> -> memref<1000000x16xf32, #tpu.memory_space<hbm>>
      tpu.enqueue_indirect_dma source(%dma_start3A_45 : memref<1000000x16xf32, #tpu.memory_space<hbm>>) target(%dma_start3A_41 : memref<128x16xf32, #tpu.memory_space<vmem>>) offsets(%dma_start3A_42 : memref<128xi32, #tpu.memory_space<vmem>>) semaphore(%arg7 : memref<!tpu.dma_semaphore, #tpu.memory_space<semaphore_mem>>)
      %add3A_46 = arith.constant 512 : i32
      %add3A_47 = arith.addi %mul3A_10, %add3A_46 : i32
      %dma_start3A_48 = arith.constant 512 : i32
      %dma_start3A_49 = arith.constant 0 : i32
      %dma_start3A_50 = tpu.memref_slice %arg6[%dma_start3A_48, %dma_start3A_49] : memref<1024x16xf32, #tpu.memory_space<vmem>> -> memref<128x16xf32, #tpu.memory_space<vmem>>
      %dma_start3A_51 = tpu.memref_slice %arg5[%add3A_47] : memref<13312xi32, #tpu.memory_space<vmem>> -> memref<128xi32, #tpu.memory_space<vmem>>
      %dma_start3A_52 = arith.constant 0 : i32
      %dma_start3A_53 = arith.constant 0 : i32
      %dma_start3A_54 = tpu.memref_slice %arg3[%dma_start3A_52, %dma_start3A_53] : memref<1000000x16xf32, #tpu.memory_space<hbm>> -> memref<1000000x16xf32, #tpu.memory_space<hbm>>
      tpu.enqueue_indirect_dma source(%dma_start3A_54 : memref<1000000x16xf32, #tpu.memory_space<hbm>>) target(%dma_start3A_50 : memref<128x16xf32, #tpu.memory_space<vmem>>) offsets(%dma_start3A_51 : memref<128xi32, #tpu.memory_space<vmem>>) semaphore(%arg7 : memref<!tpu.dma_semaphore, #tpu.memory_space<semaphore_mem>>)
      %add3A_55 = arith.constant 640 : i32
      %add3A_56 = arith.addi %mul3A_10, %add3A_55 : i32
      %dma_start3A_57 = arith.constant 640 : i32
      %dma_start3A_58 = arith.constant 0 : i32
      %dma_start3A_59 = tpu.memref_slice %arg6[%dma_start3A_57, %dma_start3A_58] : memref<1024x16xf32, #tpu.memory_space<vmem>> -> memref<128x16xf32, #tpu.memory_space<vmem>>
      %dma_start3A_60 = tpu.memref_slice %arg5[%add3A_56] : memref<13312xi32, #tpu.memory_space<vmem>> -> memref<128xi32, #tpu.memory_space<vmem>>
      %dma_start3A_61 = arith.constant 0 : i32
      %dma_start3A_62 = arith.constant 0 : i32
      %dma_start3A_63 = tpu.memref_slice %arg3[%dma_start3A_61, %dma_start3A_62] : memref<1000000x16xf32, #tpu.memory_space<hbm>> -> memref<1000000x16xf32, #tpu.memory_space<hbm>>
      tpu.enqueue_indirect_dma source(%dma_start3A_63 : memref<1000000x16xf32, #tpu.memory_space<hbm>>) target(%dma_start3A_59 : memref<128x16xf32, #tpu.memory_space<vmem>>) offsets(%dma_start3A_60 : memref<128xi32, #tpu.memory_space<vmem>>) semaphore(%arg7 : memref<!tpu.dma_semaphore, #tpu.memory_space<semaphore_mem>>)
      %add3A_64 = arith.constant 768 : i32
      %add3A_65 = arith.addi %mul3A_10, %add3A_64 : i32
      %dma_start3A_66 = arith.constant 768 : i32
      %dma_start3A_67 = arith.constant 0 : i32
      %dma_start3A_68 = tpu.memref_slice %arg6[%dma_start3A_66, %dma_start3A_67] : memref<1024x16xf32, #tpu.memory_space<vmem>> -> memref<128x16xf32, #tpu.memory_space<vmem>>
      %dma_start3A_69 = tpu.memref_slice %arg5[%add3A_65] : memref<13312xi32, #tpu.memory_space<vmem>> -> memref<128xi32, #tpu.memory_space<vmem>>
      %dma_start3A_70 = arith.constant 0 : i32
      %dma_start3A_71 = arith.constant 0 : i32
      %dma_start3A_72 = tpu.memref_slice %arg3[%dma_start3A_70, %dma_start3A_71] : memref<1000000x16xf32, #tpu.memory_space<hbm>> -> memref<1000000x16xf32, #tpu.memory_space<hbm>>
      tpu.enqueue_indirect_dma source(%dma_start3A_72 : memref<1000000x16xf32, #tpu.memory_space<hbm>>) target(%dma_start3A_68 : memref<128x16xf32, #tpu.memory_space<vmem>>) offsets(%dma_start3A_69 : memref<128xi32, #tpu.memory_space<vmem>>) semaphore(%arg7 : memref<!tpu.dma_semaphore, #tpu.memory_space<semaphore_mem>>)
      %add3A_73 = arith.constant 896 : i32
      %add3A_74 = arith.addi %mul3A_10, %add3A_73 : i32
      %dma_start3A_75 = arith.constant 896 : i32
      %dma_start3A_76 = arith.constant 0 : i32
      %dma_start3A_77 = tpu.memref_slice %arg6[%dma_start3A_75, %dma_start3A_76] : memref<1024x16xf32, #tpu.memory_space<vmem>> -> memref<128x16xf32, #tpu.memory_space<vmem>>
      %dma_start3A_78 = tpu.memref_slice %arg5[%add3A_74] : memref<13312xi32, #tpu.memory_space<vmem>> -> memref<128xi32, #tpu.memory_space<vmem>>
      %dma_start3A_79 = arith.constant 0 : i32
      %dma_start3A_80 = arith.constant 0 : i32
      %dma_start3A_81 = tpu.memref_slice %arg3[%dma_start3A_79, %dma_start3A_80] : memref<1000000x16xf32, #tpu.memory_space<hbm>> -> memref<1000000x16xf32, #tpu.memory_space<hbm>>
      tpu.enqueue_indirect_dma source(%dma_start3A_81 : memref<1000000x16xf32, #tpu.memory_space<hbm>>) target(%dma_start3A_77 : memref<128x16xf32, #tpu.memory_space<vmem>>) offsets(%dma_start3A_78 : memref<128xi32, #tpu.memory_space<vmem>>) semaphore(%arg7 : memref<!tpu.dma_semaphore, #tpu.memory_space<semaphore_mem>>)
      %dma_wait3A = arith.constant 0 : i32
      %dma_wait3A_82 = arith.constant 0 : i32
      %dma_wait3A_83 = tpu.memref_slice %arg6[%dma_wait3A, %dma_wait3A_82] : memref<1024x16xf32, #tpu.memory_space<vmem>> -> memref<128x16xf32, #tpu.memory_space<vmem>>
      %dma_wait3A_84 = tpu.memref_slice %arg5[%add3A_12] : memref<13312xi32, #tpu.memory_space<vmem>> -> memref<128xi32, #tpu.memory_space<vmem>>
      %dma_wait3A_85 = arith.constant 0 : i32
      %dma_wait3A_86 = arith.constant 0 : i32
      %dma_wait3A_87 = tpu.memref_slice %arg3[%dma_wait3A_85, %dma_wait3A_86] : memref<1000000x16xf32, #tpu.memory_space<hbm>> -> memref<1000000x16xf32, #tpu.memory_space<hbm>>
      tpu.wait_indirect_dma semaphore(%arg7 : memref<!tpu.dma_semaphore, #tpu.memory_space<semaphore_mem>>) src(%dma_wait3A_87 : memref<1000000x16xf32, #tpu.memory_space<hbm>>) dst(%dma_wait3A_83 : memref<128x16xf32, #tpu.memory_space<vmem>>)
      %dma_wait3A_88 = arith.constant 128 : i32
      %dma_wait3A_89 = arith.constant 0 : i32
      %dma_wait3A_90 = tpu.memref_slice %arg6[%dma_wait3A_88, %dma_wait3A_89] : memref<1024x16xf32, #tpu.memory_space<vmem>> -> memref<128x16xf32, #tpu.memory_space<vmem>>
      %dma_wait3A_91 = tpu.memref_slice %arg5[%add3A_20] : memref<13312xi32, #tpu.memory_space<vmem>> -> memref<128xi32, #tpu.memory_space<vmem>>
      %dma_wait3A_92 = arith.constant 0 : i32
      %dma_wait3A_93 = arith.constant 0 : i32
      %dma_wait3A_94 = tpu.memref_slice %arg3[%dma_wait3A_92, %dma_wait3A_93] : memref<1000000x16xf32, #tpu.memory_space<hbm>> -> memref<1000000x16xf32, #tpu.memory_space<hbm>>
      tpu.wait_indirect_dma semaphore(%arg7 : memref<!tpu.dma_semaphore, #tpu.memory_space<semaphore_mem>>) src(%dma_wait3A_94 : memref<1000000x16xf32, #tpu.memory_space<hbm>>) dst(%dma_wait3A_90 : memref<128x16xf32, #tpu.memory_space<vmem>>)
      %dma_wait3A_95 = arith.constant 256 : i32
      %dma_wait3A_96 = arith.constant 0 : i32
      %dma_wait3A_97 = tpu.memref_slice %arg6[%dma_wait3A_95, %dma_wait3A_96] : memref<1024x16xf32, #tpu.memory_space<vmem>> -> memref<128x16xf32, #tpu.memory_space<vmem>>
      %dma_wait3A_98 = tpu.memref_slice %arg5[%add3A_29] : memref<13312xi32, #tpu.memory_space<vmem>> -> memref<128xi32, #tpu.memory_space<vmem>>
      %dma_wait3A_99 = arith.constant 0 : i32
      %dma_wait3A_100 = arith.constant 0 : i32
      %dma_wait3A_101 = tpu.memref_slice %arg3[%dma_wait3A_99, %dma_wait3A_100] : memref<1000000x16xf32, #tpu.memory_space<hbm>> -> memref<1000000x16xf32, #tpu.memory_space<hbm>>
      tpu.wait_indirect_dma semaphore(%arg7 : memref<!tpu.dma_semaphore, #tpu.memory_space<semaphore_mem>>) src(%dma_wait3A_101 : memref<1000000x16xf32, #tpu.memory_space<hbm>>) dst(%dma_wait3A_97 : memref<128x16xf32, #tpu.memory_space<vmem>>)
      %dma_wait3A_102 = arith.constant 384 : i32
      %dma_wait3A_103 = arith.constant 0 : i32
      %dma_wait3A_104 = tpu.memref_slice %arg6[%dma_wait3A_102, %dma_wait3A_103] : memref<1024x16xf32, #tpu.memory_space<vmem>> -> memref<128x16xf32, #tpu.memory_space<vmem>>
      %dma_wait3A_105 = tpu.memref_slice %arg5[%add3A_38] : memref<13312xi32, #tpu.memory_space<vmem>> -> memref<128xi32, #tpu.memory_space<vmem>>
      %dma_wait3A_106 = arith.constant 0 : i32
      %dma_wait3A_107 = arith.constant 0 : i32
      %dma_wait3A_108 = tpu.memref_slice %arg3[%dma_wait3A_106, %dma_wait3A_107] : memref<1000000x16xf32, #tpu.memory_space<hbm>> -> memref<1000000x16xf32, #tpu.memory_space<hbm>>
      tpu.wait_indirect_dma semaphore(%arg7 : memref<!tpu.dma_semaphore, #tpu.memory_space<semaphore_mem>>) src(%dma_wait3A_108 : memref<1000000x16xf32, #tpu.memory_space<hbm>>) dst(%dma_wait3A_104 : memref<128x16xf32, #tpu.memory_space<vmem>>)
      %dma_wait3A_109 = arith.constant 512 : i32
      %dma_wait3A_110 = arith.constant 0 : i32
      %dma_wait3A_111 = tpu.memref_slice %arg6[%dma_wait3A_109, %dma_wait3A_110] : memref<1024x16xf32, #tpu.memory_space<vmem>> -> memref<128x16xf32, #tpu.memory_space<vmem>>
      %dma_wait3A_112 = tpu.memref_slice %arg5[%add3A_47] : memref<13312xi32, #tpu.memory_space<vmem>> -> memref<128xi32, #tpu.memory_space<vmem>>
      %dma_wait3A_113 = arith.constant 0 : i32
      %dma_wait3A_114 = arith.constant 0 : i32
      %dma_wait3A_115 = tpu.memref_slice %arg3[%dma_wait3A_113, %dma_wait3A_114] : memref<1000000x16xf32, #tpu.memory_space<hbm>> -> memref<1000000x16xf32, #tpu.memory_space<hbm>>
      tpu.wait_indirect_dma semaphore(%arg7 : memref<!tpu.dma_semaphore, #tpu.memory_space<semaphore_mem>>) src(%dma_wait3A_115 : memref<1000000x16xf32, #tpu.memory_space<hbm>>) dst(%dma_wait3A_111 : memref<128x16xf32, #tpu.memory_space<vmem>>)
      %dma_wait3A_116 = arith.constant 640 : i32
      %dma_wait3A_117 = arith.constant 0 : i32
      %dma_wait3A_118 = tpu.memref_slice %arg6[%dma_wait3A_116, %dma_wait3A_117] : memref<1024x16xf32, #tpu.memory_space<vmem>> -> memref<128x16xf32, #tpu.memory_space<vmem>>
      %dma_wait3A_119 = tpu.memref_slice %arg5[%add3A_56] : memref<13312xi32, #tpu.memory_space<vmem>> -> memref<128xi32, #tpu.memory_space<vmem>>
      %dma_wait3A_120 = arith.constant 0 : i32
      %dma_wait3A_121 = arith.constant 0 : i32
      %dma_wait3A_122 = tpu.memref_slice %arg3[%dma_wait3A_120, %dma_wait3A_121] : memref<1000000x16xf32, #tpu.memory_space<hbm>> -> memref<1000000x16xf32, #tpu.memory_space<hbm>>
      tpu.wait_indirect_dma semaphore(%arg7 : memref<!tpu.dma_semaphore, #tpu.memory_space<semaphore_mem>>) src(%dma_wait3A_122 : memref<1000000x16xf32, #tpu.memory_space<hbm>>) dst(%dma_wait3A_118 : memref<128x16xf32, #tpu.memory_space<vmem>>)
      %dma_wait3A_123 = arith.constant 768 : i32
      %dma_wait3A_124 = arith.constant 0 : i32
      %dma_wait3A_125 = tpu.memref_slice %arg6[%dma_wait3A_123, %dma_wait3A_124] : memref<1024x16xf32, #tpu.memory_space<vmem>> -> memref<128x16xf32, #tpu.memory_space<vmem>>
      %dma_wait3A_126 = tpu.memref_slice %arg5[%add3A_65] : memref<13312xi32, #tpu.memory_space<vmem>> -> memref<128xi32, #tpu.memory_space<vmem>>
      %dma_wait3A_127 = arith.constant 0 : i32
      %dma_wait3A_128 = arith.constant 0 : i32
      %dma_wait3A_129 = tpu.memref_slice %arg3[%dma_wait3A_127, %dma_wait3A_128] : memref<1000000x16xf32, #tpu.memory_space<hbm>> -> memref<1000000x16xf32, #tpu.memory_space<hbm>>
      tpu.wait_indirect_dma semaphore(%arg7 : memref<!tpu.dma_semaphore, #tpu.memory_space<semaphore_mem>>) src(%dma_wait3A_129 : memref<1000000x16xf32, #tpu.memory_space<hbm>>) dst(%dma_wait3A_125 : memref<128x16xf32, #tpu.memory_space<vmem>>)
      %dma_wait3A_130 = arith.constant 896 : i32
      %dma_wait3A_131 = arith.constant 0 : i32
      %dma_wait3A_132 = tpu.memref_slice %arg6[%dma_wait3A_130, %dma_wait3A_131] : memref<1024x16xf32, #tpu.memory_space<vmem>> -> memref<128x16xf32, #tpu.memory_space<vmem>>
      %dma_wait3A_133 = tpu.memref_slice %arg5[%add3A_74] : memref<13312xi32, #tpu.memory_space<vmem>> -> memref<128xi32, #tpu.memory_space<vmem>>
      %dma_wait3A_134 = arith.constant 0 : i32
      %dma_wait3A_135 = arith.constant 0 : i32
      %dma_wait3A_136 = tpu.memref_slice %arg3[%dma_wait3A_134, %dma_wait3A_135] : memref<1000000x16xf32, #tpu.memory_space<hbm>> -> memref<1000000x16xf32, #tpu.memory_space<hbm>>
      tpu.wait_indirect_dma semaphore(%arg7 : memref<!tpu.dma_semaphore, #tpu.memory_space<semaphore_mem>>) src(%dma_wait3A_136 : memref<1000000x16xf32, #tpu.memory_space<hbm>>) dst(%dma_wait3A_132 : memref<128x16xf32, #tpu.memory_space<vmem>>)
      %iota3A = tpu.iota {dimensions = array<i32: 0>} : vector<16xi32>
      %broadcast_in_dim3A = arith.constant 0.000000e+00 : f32
      %broadcast_in_dim3A_137 = vector.broadcast %broadcast_in_dim3A : f32 to vector<16xf32>
      %scan3A_138 = arith.constant 0 : i32
      %scan3A_139 = arith.constant 0 : i32
      %scan3A_140 = arith.constant 64 : i32
      %scan3A_141 = arith.addi %scan3A_139, %scan3A_140 : i32
      %scan3A_142 = arith.constant 1 : i32
      scf.for %scan3A_145 = %scan3A_139 to %scan3A_141 step %scan3A_142  : i32 {
        %mul3A_146 = arith.constant 16 : i32
        %mul3A_147 = arith.muli %scan3A_145, %mul3A_146 : i32
        %add3A_148 = arith.addi %mul3A_10, %mul3A_147 : i32
        %get3A = arith.index_cast %add3A_148 : i32 to index
        %get3A_149 = tpu.vector_load %arg5[%get3A] {strides = array<i32>} : memref<13312xi32, #tpu.memory_space<vmem>>, vector<16xi32>,
        %eq3A = arith.constant 0 : i32
        %eq3A_150 = vector.broadcast %eq3A : i32 to vector<16xi32>
        %eq3A_151 = arith.cmpi eq, %get3A_149, %eq3A_150 : vector<16xi32>
        %mul3A_152 = arith.constant 16 : i32
        %mul3A_153 = arith.muli %scan3A_145, %mul3A_152 : i32
        %add3A_154 = vector.broadcast %mul3A_153 : i32 to vector<16xi32>
        %add3A_155 = arith.addi %add3A_154, %iota3A : vector<16xi32>
        %broadcast_in_dim3A_156 = arith.constant 0 : i32
        %broadcast_in_dim3A_157 = vector.broadcast %broadcast_in_dim3A_156 : i32 to vector<16xi32>
        tpu.vector_store_idx %arg6[%add3A_155, %broadcast_in_dim3A_157], %broadcast_in_dim3A_137 masked %eq3A_151 : memref<1024x16xf32, #tpu.memory_space<vmem>>[vector<16xi32>, vector<16xi32>], vector<16xf32>, vector<16xi1>
        %broadcast_in_dim3A_158 = arith.constant 1 : i32
        %broadcast_in_dim3A_159 = vector.broadcast %broadcast_in_dim3A_158 : i32 to vector<16xi32>
        tpu.vector_store_idx %arg6[%add3A_155, %broadcast_in_dim3A_159], %broadcast_in_dim3A_137 masked %eq3A_151 : memref<1024x16xf32, #tpu.memory_space<vmem>>[vector<16xi32>, vector<16xi32>], vector<16xf32>, vector<16xi1>
        %broadcast_in_dim3A_160 = arith.constant 2 : i32
        %broadcast_in_dim3A_161 = vector.broadcast %broadcast_in_dim3A_160 : i32 to vector<16xi32>
        tpu.vector_store_idx %arg6[%add3A_155, %broadcast_in_dim3A_161], %broadcast_in_dim3A_137 masked %eq3A_151 : memref<1024x16xf32, #tpu.memory_space<vmem>>[vector<16xi32>, vector<16xi32>], vector<16xf32>, vector<16xi1>
        %broadcast_in_dim3A_162 = arith.constant 3 : i32
        %broadcast_in_dim3A_163 = vector.broadcast %broadcast_in_dim3A_162 : i32 to vector<16xi32>
        tpu.vector_store_idx %arg6[%add3A_155, %broadcast_in_dim3A_163], %broadcast_in_dim3A_137 masked %eq3A_151 : memref<1024x16xf32, #tpu.memory_space<vmem>>[vector<16xi32>, vector<16xi32>], vector<16xf32>, vector<16xi1>
        %broadcast_in_dim3A_164 = arith.constant 4 : i32
        %broadcast_in_dim3A_165 = vector.broadcast %broadcast_in_dim3A_164 : i32 to vector<16xi32>
        tpu.vector_store_idx %arg6[%add3A_155, %broadcast_in_dim3A_165], %broadcast_in_dim3A_137 masked %eq3A_151 : memref<1024x16xf32, #tpu.memory_space<vmem>>[vector<16xi32>, vector<16xi32>], vector<16xf32>, vector<16xi1>
        %broadcast_in_dim3A_166 = arith.constant 5 : i32
        %broadcast_in_dim3A_167 = vector.broadcast %broadcast_in_dim3A_166 : i32 to vector<16xi32>
        tpu.vector_store_idx %arg6[%add3A_155, %broadcast_in_dim3A_167], %broadcast_in_dim3A_137 masked %eq3A_151 : memref<1024x16xf32, #tpu.memory_space<vmem>>[vector<16xi32>, vector<16xi32>], vector<16xf32>, vector<16xi1>
        %broadcast_in_dim3A_168 = arith.constant 6 : i32
        %broadcast_in_dim3A_169 = vector.broadcast %broadcast_in_dim3A_168 : i32 to vector<16xi32>
        tpu.vector_store_idx %arg6[%add3A_155, %broadcast_in_dim3A_169], %broadcast_in_dim3A_137 masked %eq3A_151 : memref<1024x16xf32, #tpu.memory_space<vmem>>[vector<16xi32>, vector<16xi32>], vector<16xf32>, vector<16xi1>
        %broadcast_in_dim3A_170 = arith.constant 7 : i32
        %broadcast_in_dim3A_171 = vector.broadcast %broadcast_in_dim3A_170 : i32 to vector<16xi32>
        tpu.vector_store_idx %arg6[%add3A_155, %broadcast_in_dim3A_171], %broadcast_in_dim3A_137 masked %eq3A_151 : memref<1024x16xf32, #tpu.memory_space<vmem>>[vector<16xi32>, vector<16xi32>], vector<16xf32>, vector<16xi1>
        %broadcast_in_dim3A_172 = arith.constant 8 : i32
        %broadcast_in_dim3A_173 = vector.broadcast %broadcast_in_dim3A_172 : i32 to vector<16xi32>
        tpu.vector_store_idx %arg6[%add3A_155, %broadcast_in_dim3A_173], %broadcast_in_dim3A_137 masked %eq3A_151 : memref<1024x16xf32, #tpu.memory_space<vmem>>[vector<16xi32>, vector<16xi32>], vector<16xf32>, vector<16xi1>
        %broadcast_in_dim3A_174 = arith.constant 9 : i32
        %broadcast_in_dim3A_175 = vector.broadcast %broadcast_in_dim3A_174 : i32 to vector<16xi32>
        tpu.vector_store_idx %arg6[%add3A_155, %broadcast_in_dim3A_175], %broadcast_in_dim3A_137 masked %eq3A_151 : memref<1024x16xf32, #tpu.memory_space<vmem>>[vector<16xi32>, vector<16xi32>], vector<16xf32>, vector<16xi1>
        %broadcast_in_dim3A_176 = arith.constant 10 : i32
        %broadcast_in_dim3A_177 = vector.broadcast %broadcast_in_dim3A_176 : i32 to vector<16xi32>
        tpu.vector_store_idx %arg6[%add3A_155, %broadcast_in_dim3A_177], %broadcast_in_dim3A_137 masked %eq3A_151 : memref<1024x16xf32, #tpu.memory_space<vmem>>[vector<16xi32>, vector<16xi32>], vector<16xf32>, vector<16xi1>
        %broadcast_in_dim3A_178 = arith.constant 11 : i32
        %broadcast_in_dim3A_179 = vector.broadcast %broadcast_in_dim3A_178 : i32 to vector<16xi32>
        tpu.vector_store_idx %arg6[%add3A_155, %broadcast_in_dim3A_179], %broadcast_in_dim3A_137 masked %eq3A_151 : memref<1024x16xf32, #tpu.memory_space<vmem>>[vector<16xi32>, vector<16xi32>], vector<16xf32>, vector<16xi1>
        %broadcast_in_dim3A_180 = arith.constant 12 : i32
        %broadcast_in_dim3A_181 = vector.broadcast %broadcast_in_dim3A_180 : i32 to vector<16xi32>
        tpu.vector_store_idx %arg6[%add3A_155, %broadcast_in_dim3A_181], %broadcast_in_dim3A_137 masked %eq3A_151 : memref<1024x16xf32, #tpu.memory_space<vmem>>[vector<16xi32>, vector<16xi32>], vector<16xf32>, vector<16xi1>
        %broadcast_in_dim3A_182 = arith.constant 13 : i32
        %broadcast_in_dim3A_183 = vector.broadcast %broadcast_in_dim3A_182 : i32 to vector<16xi32>
        tpu.vector_store_idx %arg6[%add3A_155, %broadcast_in_dim3A_183], %broadcast_in_dim3A_137 masked %eq3A_151 : memref<1024x16xf32, #tpu.memory_space<vmem>>[vector<16xi32>, vector<16xi32>], vector<16xf32>, vector<16xi1>
        %broadcast_in_dim3A_184 = arith.constant 14 : i32
        %broadcast_in_dim3A_185 = vector.broadcast %broadcast_in_dim3A_184 : i32 to vector<16xi32>
        tpu.vector_store_idx %arg6[%add3A_155, %broadcast_in_dim3A_185], %broadcast_in_dim3A_137 masked %eq3A_151 : memref<1024x16xf32, #tpu.memory_space<vmem>>[vector<16xi32>, vector<16xi32>], vector<16xf32>, vector<16xi1>
        %broadcast_in_dim3A_186 = arith.constant 15 : i32
        %broadcast_in_dim3A_187 = vector.broadcast %broadcast_in_dim3A_186 : i32 to vector<16xi32>
        tpu.vector_store_idx %arg6[%add3A_155, %broadcast_in_dim3A_187], %broadcast_in_dim3A_137 masked %eq3A_151 : memref<1024x16xf32, #tpu.memory_space<vmem>>[vector<16xi32>, vector<16xi32>], vector<16xf32>, vector<16xi1>
      }
      %scan3A_143 = arith.constant 64 : i32
      %add3A_144 = arith.addi %mul3A_2, %mul3A_10 : i32
      "tpu.region"() ({
        %run_scoped3A = tpu.sem_alloc : memref<!tpu.dma_semaphore, #tpu.memory_space<semaphore_mem>>
        %dma_start3A_145 = arith.constant 0 : i32
        %dma_start3A_146 = tpu.memref_slice %arg4[%add3A_144, %dma_start3A_145] : memref<425984x16xf32, #tpu.memory_space<hbm>> -> memref<1024x16xf32, #tpu.memory_space<hbm>>
        %dma_start3A_147 = arith.constant 0 : i32
        %dma_start3A_148 = tpu.memref_slice %arg4[%add3A_144, %dma_start3A_147] : memref<425984x16xf32, #tpu.memory_space<hbm>> -> memref<1024x16xf32, #tpu.memory_space<hbm>>
        tpu.enqueue_dma source(%arg6 : memref<1024x16xf32, #tpu.memory_space<vmem>>) target(%dma_start3A_148 : memref<1024x16xf32, #tpu.memory_space<hbm>>) target_semaphore(%run_scoped3A : memref<!tpu.dma_semaphore, #tpu.memory_space<semaphore_mem>>)
        %dma_wait3A_149 = arith.constant 0 : i32
        %dma_wait3A_150 = tpu.memref_slice %arg4[%add3A_144, %dma_wait3A_149] : memref<425984x16xf32, #tpu.memory_space<hbm>> -> memref<1024x16xf32, #tpu.memory_space<hbm>>
        %dma_wait3A_151 = arith.constant 0 : i32
        %dma_wait3A_152 = tpu.memref_slice %arg4[%add3A_144, %dma_wait3A_151] : memref<425984x16xf32, #tpu.memory_space<hbm>> -> memref<1024x16xf32, #tpu.memory_space<hbm>>
        tpu.wait_dma2 semaphore(%run_scoped3A : memref<!tpu.dma_semaphore, #tpu.memory_space<semaphore_mem>>) src(%arg6 : memref<1024x16xf32, #tpu.memory_space<vmem>>) dst(%dma_wait3A_152 : memref<1024x16xf32, #tpu.memory_space<hbm>>)
        tpu.yield
      }) : () -> ()
    }
    %scan3A_7 = arith.constant 13 : i32
    return
  }
}

</mosaic_0001>

<sc_bundles>
// kernel: kernel.3.cloned.1.call-start
scs
__scs_entry_jumppad:
0x0: {  	(pc) =	sbr.rel $0x88, $3  }
0x1: {  	(tag) =	ssettag $0x0;
	lr =	simm.s32 $0x1  }
0x2: {  	[smem:$0x3F9F] =	sst lr;
	_ =	strace $0xD0000000  }
0x3: {  	_ = 	snop  }
0x4: {  	_ = 	snop  }
0x5: {  	_ = 	snop  }
0x6: {  	_ = 	snop  }
0x7: {  	_ = 	snop  }
__scs_overlays_trampoline_lowered:
0x8: {  	[smem:$0x3FAE] =	sst s0  }
0x9: {  	[smem:$0x3FAF] =	sst s1  }
0xa: {  	[smem:$0x3FB0] =	sst s2  }
0xb: {  	[smem:$0x3FB1] =	sst s3  }
0xc: {  	[smem:$0x3FB2] =	sst s4  }
0xd: {  	[smem:$0x3FB3] =	sst s5  }
0xe: {  	[smem:$0x3FB4] =	sst s6  }
0xf: {  	[smem:$0x3FB5] =	sst s7  }
0x10: {  	[smem:$0x3FB6] =	sst s8  }
0x11: {  	[smem:$0x3FB7] =	sst s9;
	s0 =	simm.s32 @!p0 $0x0  }
0x12: {  	s1 =	sld [smem:$0x3F9D];
	s0 =	simm.s32 @p0 $0x1  }
0x13: {  	[smem:$0x3FB8] =	sst s0;
	s0 =	simm.s32 @!p1 $0x0  }
0x14: {  	s2 =	sld [smem:$0x3F9C];
	s0 =	simm.s32 @p1 $0x1  }
0x15: {  	[smem:$0x3FB9] =	sst s0;
	s0 =	simm.s32 @!p2 $0x0  }
0x16: {  	s3 =	sld [smem:$0x3FDB];
	s0 =	simm.s32 @p2 $0x1  }
0x17: {  	s4 =	simm.s32 $0x1BF5;
	[smem:$0x3FBB] =	sst s0  }
0x18: {  	s0 =	sld [smem:$0x3F9E];
	_ =	swait.ge [sflag:s4], $0x0  }
0x19: {  	s7 =	sld [smem:$0x3F9F]  }
0x1a: {  	s8 =	sadd.s32 $0xFFFFE003, lr  }
0x1b: {  	s9 =	sadd.s32 $0xFFFFFEF7, lr;
	s5 =	simm.s32 $0xFFFFFFFF;
	p2 =	slt.u32 s8, $0xFFFFF086  }
0x1c: {  	p1 =	slt.u32 s9, $0xF7A;
	s5 =	simm.s32 @!p2 $0x0  }
0x1d: {  	s5 =	simm.s32 @p1 $0x1;
	p0 =	seq.s32 s7, s2  }
0x1e: {  	s7 =	smul.u32 @!p0 $0xF7A, s2;
	p2 =	seq.s32 @!p0 s5, $0x0  }
0x1f: {  	s9 =	smul.u32 $0xF7A, s1;
	s8 =	simm.s32 @!p0 $0x1BF5;
	p2 =	por !p2, p0  }
0x20: {  	[sflag:s8] =	ssyncset.s32 @!p0 $0xFFFFF086;
	s6 =	sadd.s32 @!p0 s3, s7;
	s7 =	simm.s32 @!p0 $0x108  }
0x21: {  	s3 =	sadd.s32 s3, s9;
	s6 =	sadd.s32 @!p0 $0x88, s6;
	s7 =	simm.s32 @p2 $0x1082  }
0x22: {  	[simem:s7], [sflag:s8] =	dma.local @!p0 [hbm:s6], $0xF7A  }
0x23: {  	s9 =	sor.u32 $0xD0000000, s2;
	s6 =	simm.s32 $0x108;
	_ =	swait.ge @!p0 [sflag:s8], $0x0  }
0x24: {  	s3 =	sadd.s32 $0x88, s3;
	s6 =	simm.s32 @!p1 $0x1082;
	[sflag:s4] =	ssyncset.s32 $0xFFFFF086  }
0x25: {  	[simem:s6], [sflag:s4] =	dma.local [hbm:s3], $0xF7A  }
0x26: {  	[smem:$0x3F9F] =	sst s1;
	(tag) =	ssettag s2;
	_ =	strace s9  }
0x27: {  	s1 =	sld [smem:$0x3FAF]  }
0x28: {  	s2 =	sld [smem:$0x3FB0]  }
0x29: {  	s4 =	sld [smem:$0x3FB2]  }
0x2a: {  	p0 =	seq.s32 s5, $0x0;
	s5 =	sld [smem:$0x3FB3]  }
0x2b: {  	s6 =	sld [smem:$0x3FB4]  }
0x2c: {  	s7 =	sld [smem:$0x3FB5]  }
0x2d: {  	s3 =	simm.s32 $0x108;
	s8 =	sld [smem:$0x3FB6]  }
0x2e: {  	s3 =	simm.s32 @!p0 $0x1082;
	s9 =	sld [smem:$0x3FB7]  }
0x2f: {  	lr =	sadd.s32 s0, s3;
	s0 =	sld [smem:$0x3FAE]  }
0x30: {  	s3 =	sld [smem:$0x3FB1]  }
0x31: {  	[smem:$0x3FBA] =	sst s10  }
0x32: {  	s10 =	sld [smem:$0x3FB8];
	_ =	sdelay $0x3  }
0x33: {  	p0 =	seq.s32 s10, $0x1;
	s10 =	sld [smem:$0x3FBA];
	_ =	sdelay $0x3  }
0x34: {  	[smem:$0x3FBA] =	sst s10  }
0x35: {  	s10 =	sld [smem:$0x3FB9];
	_ =	sdelay $0x3  }
0x36: {  	p1 =	seq.s32 s10, $0x1;
	s10 =	sld [smem:$0x3FBA];
	_ =	sdelay $0x3  }
0x37: {  	[smem:$0x3FBA] =	sst s10  }
0x38: {  	s10 =	sld [smem:$0x3FBB]  }
0x39: {  	_ = 	snop;
	(pc) =	sbr.ind lr, $3  }
0x3a: {  	_ = 	snop  }
0x3b: {  	_ = 	snop  }
0x3c: {  	p2 =	seq.s32 s10, $0x1;
	s10 =	sld [smem:$0x3FBA]  }
0x3d: {  	_ =	shalt  }
0x3e: {  	_ =	shalt  }
0x3f: {  	_ =	shalt  }
0x40: {  	_ =	shalt  }
0x41: {  	_ =	shalt  }
0x42: {  	_ =	shalt  }
0x43: {  	_ =	shalt  }
0x44: {  	_ =	shalt  }
0x45: {  	_ =	shalt  }
0x46: {  	_ =	shalt  }
0x47: {  	_ =	shalt  }
0x48: {  	_ =	shalt  }
0x49: {  	_ =	shalt  }
0x4a: {  	_ =	shalt  }
0x4b: {  	_ =	shalt  }
0x4c: {  	_ =	shalt  }
0x4d: {  	_ =	shalt  }
0x4e: {  	_ =	shalt  }
0x4f: {  	_ =	shalt  }
0x50: {  	_ =	shalt  }
0x51: {  	_ =	shalt  }
0x52: {  	_ =	shalt  }
0x53: {  	_ =	shalt  }
0x54: {  	_ =	shalt  }
0x55: {  	_ =	shalt  }
0x56: {  	_ =	shalt  }
0x57: {  	_ =	shalt  }
0x58: {  	_ =	shalt  }
0x59: {  	_ =	shalt  }
0x5a: {  	_ =	shalt  }
0x5b: {  	_ =	shalt  }
0x5c: {  	_ =	shalt  }
0x5d: {  	_ =	shalt  }
0x5e: {  	_ =	shalt  }
0x5f: {  	_ =	shalt  }
0x60: {  	_ =	shalt  }
0x61: {  	_ =	shalt  }
0x62: {  	_ =	shalt  }
0x63: {  	_ =	shalt  }
0x64: {  	_ =	shalt  }
0x65: {  	_ =	shalt  }
0x66: {  	_ =	shalt  }
0x67: {  	_ =	shalt  }
0x68: {  	_ =	shalt  }
0x69: {  	_ =	shalt  }
0x6a: {  	_ =	shalt  }
0x6b: {  	_ =	shalt  }
0x6c: {  	_ =	shalt  }
0x6d: {  	_ =	shalt  }
0x6e: {  	_ =	shalt  }
0x6f: {  	_ =	shalt  }
0x70: {  	_ =	shalt  }
0x71: {  	_ =	shalt  }
0x72: {  	_ =	shalt  }
0x73: {  	_ =	shalt  }
0x74: {  	_ =	shalt  }
0x75: {  	_ =	shalt  }
0x76: {  	_ =	shalt  }
0x77: {  	_ =	shalt  }
0x78: {  	_ =	shalt  }
0x79: {  	_ =	shalt  }
0x7a: {  	_ =	shalt  }
0x7b: {  	_ =	shalt  }
0x7c: {  	_ =	shalt  }
0x7d: {  	_ =	shalt  }
0x7e: {  	_ =	shalt  }
0x7f: {  	_ =	shalt  }
0x80: {  	_ =	shalt  }
0x81: {  	_ =	shalt  }
0x82: {  	_ =	shalt  }
0x83: {  	_ =	shalt  }
0x84: {  	_ =	shalt  }
0x85: {  	_ =	shalt  }
0x86: {  	_ =	shalt  }
0x87: {  	_ =	shalt  }
.Lfunc_end0:
.L_simem_size_0:
called_computation_lowered:
.L_overlay_start_0:
0x88: {  	s2 =	sld [smem:$0x3FD9]  }
0x89: {  	s3 =	sld [smem:$0x3FFE];
	_ =	sdelay $0x1  }
0x8a: {  	s1 =	srdreg.scid  }
0x8b: {  	s0 =	sand.u32 $0x1, s1  }
0x8c: {  	s17 =	sshll.u32 s0, $0xA;
	s2 =	sadd.s32 s3, s2  }
0x8d: {  	s2 =	sadd.s32 s2, s17  }
0x8e: {  	[smem:$0x3FC6] =	sst s2  }
0x8f: {  	_ = 	snop  }
0x90: {  	s2 =	sld [smem:$0x3FD0];
	(tm) =	ssettm $0x1  }
0x91: {  	s18 =	sld [smem:$0x3FFB];
	_ =	sdelay $0x3  }
0x92: {  	_ =	strace s18  }
0x93: {  	s3 =	sld [smem:$0x3FFC];
	_ =	sdelay $0x3  }
0x94: {  	_ =	strace s3  }
0x95: {  	s3 =	sld [smem:$0x3FFD];
	_ =	sdelay $0x3  }
0x96: {  	_ =	strace s3  }
0x97: {  	_ =	strace $0x8FFFFFFF  }
0x98: {  	s19 =	sld [smem:$0x3FDB];
	_ =	sdelay $0x1  }
0x99: {  	s4 =	simm.s32 $_scs_section_size  }
0x9a: {  	s5 =	simm.s32 $_size__tile_overlayer_lowered;
	s6 =	simm.s32 $_tile_overlayer_lowered  }
0x9b: {  	s22 =	simm.s32 $0x1BFF;
	s21 =	sshll.u32 s6, $0x1;
	s3 =	sadd.s32 s4, s19  }
0x9c: {  	s7 =	simm.s32 $0x0;
	s20 =	sshll.u32 s5, $0x1;
	s5 =	sadd.s32 s21, s3  }
0x9d: {  	[timem:s7], [sflag:s22] =	dma.local [hbm:s5], s20  }
0x9e: {  	_ =	swait.ge [sflag:s22], s20  }
0x9f: {  	s4 =	ssub.s32 $0x0, s20;
	[sflag:s22] =	ssyncset.done $0x0  }
0xa0: {  	[sflag:s22] =	ssyncadd.s32 s4;
	_ =	sdelay $0x1  }
0xa1: {  	s23 =	simm.s32 $0x1B8B  }
0xa2: {  	_ =	swait.ge [sflag:s23], $0x1  }
0xa3: {  	[sflag:s23] =	ssyncset.done $0x0  }
0xa4: {  	s25 =	simm.s32 $0x1B8E;
	s24 =	sld [smem:$0x3FFE];
	[sflag:s23] =	ssyncadd.s32 $0xFFFFFFFF  }
0xa5: {  	s26 =	simm.s32 $execute0_lowered;
	[smem:$0x3FD2] =	sst s25  }
0xa6: {  	s5 =	sshll.u32 s26, $0x1;
	_ =	strace $0x80000046;
	[dreg:$0x1] =	wrdreg $0xFFFFFFFF  }
0xa7: {  	s28 =	simm.s32 $_size_execute0_lowered;
	s3 =	sadd.s32 s3, s5;
	[dreg:$0x0] =	wrdreg $0x0  }
0xa8: {  	s5 =	sshll.u32 s28, $0x1;
	[dreg:$0x2] =	wrdreg s3  }
0xa9: {  	[dreg:$0x3] =	wrdreg s5  }
0xaa: {  	[dreg:$0x4] =	wrdreg $0xC0  }
0xab: {  	_ =	task [dreg:s7], $0x5FFFF  }
0xac: {  	[dreg:$0x1] =	wrdreg $0xFFFFFFFF  }
0xad: {  	[dreg:$0x0] =	wrdreg $0x60  }
0xae: {  	[dreg:$0x2] =	wrdreg s24  }
0xaf: {  	[dreg:$0x3] =	wrdreg s2  }
0xb0: {  	[dreg:$0x4] =	wrdreg $0x9  }
0xb1: {  	_ =	task.clear_ibuf [dreg:s7], $0x5FFFF;
	_ =	strace $0x90000046  }
0xb2: {  	s29 =	simm.s32 $0x9;
	_ =	strace $0x80000048  }
0xb3: {  	_ =	swait.ge [sflag:s29], $0x1  }
0xb4: {  	[sflag:s29] =	ssyncadd.s32 $0xFFFFFFFF  }
0xb5: {  	_ =	strace $0x90000048  }
0xb6: {  	_ =	sfence  }
0xb7: {  	s30 =	sld [smem:$0x0];
	_ =	sdelay $0x2  }
0xb8: {  	s31 =	sshll.u32 s1, $0xD;
	s1 =	sshrl.u32 s1, $0x2  }
0xb9: {  	s3 =	sand.u32 $0x4000, s31;
	s1 =	sadd.s32 s1, s30  }
0xba: {  	s0 =	sor.u32 s3, s0;
	s1 =	sshll.u32 s1, $0x11  }
0xbb: {  	s0 =	sor.u32 s1, s0  }
0xbc: {  	s0 =	sadd.s32 $0x8F2B, s0  }
0xbd: {  	[sflag:s0] =	ssyncadd.remote.s32 $0x1  }
0xbe: {  	_ =	sfence.sel $0xFFFF  }
0xbf: {  	[dreg:$0x0] =	wrdreg $0xFFFFFFFF;
	(pc) =	sbr.abs _section_cstart, $3  }
0xc0: {  	[dreg:$0x1] =	wrdreg $0xFFFFFFFF  }
0xc1: {  	_ =	task.clear_ibuf [dreg:s7], $0x2FFFF;
	_ =	strace $0x9FFFFFFF  }
0xc2: {  	(tm) =	ssettm $0x7FFFFFFF  }
0xc3: {  	_ =	shalt  }
tec
execute0_lowered:
.L_overlay_start_1:
0x0: {  	(tag) =	ssettag $0x1  }
0x1: {  	s1 =	srdreg.scid;
	s6 =	rddreg [dreg:$0x0]  }
0x2: {  	s0 =	stileid.u32;
	s2 =	rddreg [dreg:$0x1];
	s4 =	simm.s32 $0x0  }
0x3: {  	s9 =	simm.s32 $0x80;
	s10 =	simm.s32 $0x3400;
	s11 =	simm.s32 $0x3C00  }
0x4: {  	s12 =	simm.s32 $0x4400;
	s13 =	simm.s32 $0x4C00;
	s14 =	simm.s32 $0x5400  }
0x5: {  	s15 =	simm.s32 $0x5C00;
	s5 =	sand.u32 $0x1, s1;
	s31 =	sshll.u32 s0, $0x1  }
0x6: {  	s16 =	simm.s32 $0x6400;
	s17 =	simm.s32 $0x6C00;
	s1 =	sor.u32 s5, s31  }
0x7: {  	s18 =	simm.s32 $0x1;
	[smem:$0x7FF] =	sst s4;
	s3 =	smul.u32 $0x3400, s1  }
0x8: {  	s19 =	simm.s32 $0x0;
	s5 =	ssub.s32 $0x2, s5;
	s1 =	rddreg [dreg:$0x2]  }
0x9: {  	s8 =	sshrl.u32 s5, $0x1;
	_ =	strace $0x80000047;
	s7 =	sshrl.u32 s3, $0x3  }
0xa: {  	v0 =	vlaneseq.u32;
	s8 =	ssub.s32 s5, s8;
	s5 =	sadd.s32 $0xF42A00, s6;
	s7 =	sadd.s32 s7, s6  }
0xb: {  	v1 =	vimm.f32 $0.0e+00;
	v0 =	vmul.u32 $0x10, v0;
	s6 =	sadd.s32 $0x600, s7;
	s7 =	smax.u32 s8, $0x1;
	s8 =	simm.s32 $0x2  }
.LBB2_1:
0xc: {  	[tilespmem:s4], [sflag:$0x2] =	stream.linear.gather [hbm4b:s6+s4], $0x3400, $0x38;
	[tilespmem:$0x7400] =	vst v63  }
0xd: {  	_ =	swait.ge [sflag:s8], $0x3400  }
0xe: {  	[sflag:s8] =	ssyncset.done $0x0  }
0xf: {  	s20 =	simm.s32 $0x0;
	s21 =	simm.s32 $0x0;
	[sflag:s8] =	ssyncadd.s32 $0xFFFFCC00  }
.LBB2_2:
0x10: {  	s22 =	sshll.u32 s21, $0xA  }
0x11: {  	[tilespmem:s10], [sflag:$0x1] =	stream.indirect.gather [hbm4b:s5+s9], $0x10, s22, s9, $0xb8;
	[tilespmem:$0x7400] =	vst v63  }
0x12: {  	s23 =	sor.u32 $0x80, s22  }
0x13: {  	[tilespmem:s11], [sflag:$0x1] =	stream.indirect.gather [hbm4b:s5+s9], $0x10, s23, s9, $0xb8;
	[tilespmem:$0x7400] =	vst v63  }
0x14: {  	s24 =	sor.u32 $0x100, s22  }
0x15: {  	[tilespmem:s12], [sflag:$0x1] =	stream.indirect.gather [hbm4b:s5+s9], $0x10, s24, s9, $0xb8;
	[tilespmem:$0x7400] =	vst v63  }
0x16: {  	s25 =	sor.u32 $0x180, s22  }
0x17: {  	[tilespmem:s13], [sflag:$0x1] =	stream.indirect.gather [hbm4b:s5+s9], $0x10, s25, s9, $0xb8;
	[tilespmem:$0x7400] =	vst v63  }
0x18: {  	s26 =	sor.u32 $0x200, s22  }
0x19: {  	[tilespmem:s14], [sflag:$0x1] =	stream.indirect.gather [hbm4b:s5+s9], $0x10, s26, s9, $0xb8;
	[tilespmem:$0x7400] =	vst v63  }
0x1a: {  	s28 =	sor.u32 $0x280, s22  }
0x1b: {  	[tilespmem:s15], [sflag:$0x1] =	stream.indirect.gather [hbm4b:s5+s9], $0x10, s28, s9, $0xb8;
	[tilespmem:$0x7400] =	vst v63  }
0x1c: {  	s29 =	sor.u32 $0x300, s22  }
0x1d: {  	[tilespmem:s16], [sflag:$0x1] =	stream.indirect.gather [hbm4b:s5+s9], $0x10, s29, s9, $0xb8;
	[tilespmem:$0x7400] =	vst v63  }
0x1e: {  	s30 =	sor.u32 $0x380, s22  }
0x1f: {  	[tilespmem:s17], [sflag:$0x1] =	stream.indirect.gather [hbm4b:s5+s9], $0x10, s30, s9, $0xb8;
	[tilespmem:$0x7400] =	vst v63  }
0x20: {  	_ =	swait.ge [sflag:s18], $0x800  }
0x21: {  	[sflag:s18] =	ssyncset.done $0x0  }
0x22: {  	[sflag:s18] =	ssyncadd.s32 $0xFFFFF800  }
0x23: {  	_ =	swait.ge [sflag:s18], $0x800  }
0x24: {  	[sflag:s18] =	ssyncset.done $0x0  }
0x25: {  	[sflag:s18] =	ssyncadd.s32 $0xFFFFF800  }
0x26: {  	_ =	swait.ge [sflag:s18], $0x800  }
0x27: {  	[sflag:s18] =	ssyncset.done $0x0  }
0x28: {  	[sflag:s18] =	ssyncadd.s32 $0xFFFFF800  }
0x29: {  	_ =	swait.ge [sflag:s18], $0x800  }
0x2a: {  	[sflag:s18] =	ssyncset.done $0x0  }
0x2b: {  	[sflag:s18] =	ssyncadd.s32 $0xFFFFF800  }
0x2c: {  	_ =	swait.ge [sflag:s18], $0x800  }
0x2d: {  	[sflag:s18] =	ssyncset.done $0x0  }
0x2e: {  	[sflag:s18] =	ssyncadd.s32 $0xFFFFF800  }
0x2f: {  	_ =	swait.ge [sflag:s18], $0x800  }
0x30: {  	[sflag:s18] =	ssyncset.done $0x0  }
0x31: {  	[sflag:s18] =	ssyncadd.s32 $0xFFFFF800  }
0x32: {  	_ =	swait.ge [sflag:s18], $0x800  }
0x33: {  	[sflag:s18] =	ssyncset.done $0x0  }
0x34: {  	[sflag:s18] =	ssyncadd.s32 $0xFFFFF800  }
0x35: {  	_ =	swait.ge [sflag:s18], $0x800  }
0x36: {  	[sflag:s18] =	ssyncset.done $0x0  }
0x37: {  	[sflag:s18] =	ssyncadd.s32 $0xFFFFF800  }
0x38: {  	v2 =	vld [tilespmem:s20+$0x0];
	_ =	sdelay $0x2  }
0x39: {  	s31 =	simm.s32 $0x0  }
0x3a: {  	v3 =	vmov s31  }
0x3b: {  	vm0 =	veq.s32 v2, $0x0;
	v2 =	vshll.u32 v3, $0x4  }
0x3c: {  	v2 =	vor.u32 v0, v2  }
0x3d: {  	v3 =	vor.u32 $0x1, v2  }
0x3e: {  	v4 =	vor.u32 $0x2, v2  }
0x3f: {  	v5 =	vor.u32 $0x3, v2  }
0x40: {  	v6 =	vor.u32 $0x4, v2  }
0x41: {  	v7 =	vor.u32 $0x5, v2;
	[tilespmem:v2+s10+$0x0] =	vst.idx.msk vm0, v1  }
0x42: {  	[tilespmem:v3+s10+$0x0] =	vst.idx.msk vm0, v1;
	v3 =	vor.u32 $0x6, v2  }
0x43: {  	v57 =	vor.u32 $0x7, v2;
	[tilespmem:v4+s10+$0x0] =	vst.idx.msk vm0, v1  }
0x44: {  	v58 =	vor.u32 $0x8, v2;
	[tilespmem:v5+s10+$0x0] =	vst.idx.msk vm0, v1  }
0x45: {  	v59 =	vor.u32 $0x9, v2;
	[tilespmem:v6+s10+$0x0] =	vst.idx.msk vm0, v1  }
0x46: {  	v60 =	vor.u32 $0xA, v2;
	[tilespmem:v7+s10+$0x0] =	vst.idx.msk vm0, v1  }
0x47: {  	[tilespmem:v3+s10+$0x0] =	vst.idx.msk vm0, v1;
	v3 =	vor.u32 $0xB, v2  }
0x48: {  	v61 =	vor.u32 $0xC, v2;
	[tilespmem:v57+s10+$0x0] =	vst.idx.msk vm0, v1  }
0x49: {  	v62 =	vor.u32 $0xD, v2;
	[tilespmem:v58+s10+$0x0] =	vst.idx.msk vm0, v1  }
0x4a: {  	v63 =	vor.u32 $0xE, v2;
	[tilespmem:v59+s10+$0x0] =	vst.idx.msk vm0, v1  }
0x4b: {  	[tilespmem:v60+s10+$0x0] =	vst.idx.msk vm0, v1  }
0x4c: {  	v2 =	vor.u32 $0xF, v2;
	[tilespmem:v3+s10+$0x0] =	vst.idx.msk vm0, v1  }
0x4d: {  	[tilespmem:v61+s10+$0x0] =	vst.idx.msk vm0, v1  }
0x4e: {  	[tilespmem:v62+s10+$0x0] =	vst.idx.msk vm0, v1  }
0x4f: {  	s23 =	simm.s32 $0x10;
	s24 =	smov.u32 s20;
	[tilespmem:v63+s10+$0x0] =	vst.idx.msk vm0, v1  }
.LBB2_3:
0x50: {  	p0 =	sne.s32 s23, $0x3F0  }
0x51: {  	[tilespmem:v2+s10+$0x0] =	vst.idx.msk vm0, v1;
	s24 =	sadd.s32 $0x10, s24;
	s25 =	smov.u32 s23;
	s23 =	sadd.s32 $0x10, s23  }
0x52: {  	v2 =	vld [tilespmem:s24+$0x0];
	_ =	sdelay $0x3  }
0x53: {  	v3 =	vmov s25  }
0x54: {  	vm0 =	veq.s32 v2, $0x0;
	v2 =	vshll.u32 v3, $0x4  }
0x55: {  	v2 =	vor.u32 v0, v2  }
0x56: {  	v3 =	vor.u32 $0x1, v2  }
0x57: {  	v4 =	vor.u32 $0x2, v2  }
0x58: {  	v5 =	vor.u32 $0x3, v2  }
0x59: {  	v6 =	vor.u32 $0x4, v2  }
0x5a: {  	v7 =	vor.u32 $0x5, v2;
	[tilespmem:v2+s10+$0x0] =	vst.idx.msk vm0, v1  }
0x5b: {  	[tilespmem:v3+s10+$0x0] =	vst.idx.msk vm0, v1;
	v3 =	vor.u32 $0x6, v2  }
0x5c: {  	[tilespmem:v4+s10+$0x0] =	vst.idx.msk vm0, v1;
	v4 =	vor.u32 $0x7, v2  }
0x5d: {  	[tilespmem:v5+s10+$0x0] =	vst.idx.msk vm0, v1;
	v5 =	vor.u32 $0x8, v2  }
0x5e: {  	[tilespmem:v6+s10+$0x0] =	vst.idx.msk vm0, v1;
	v6 =	vor.u32 $0x9, v2  }
0x5f: {  	[tilespmem:v7+s10+$0x0] =	vst.idx.msk vm0, v1;
	v7 =	vor.u32 $0xA, v2  }
0x60: {  	[tilespmem:v3+s10+$0x0] =	vst.idx.msk vm0, v1;
	v3 =	vor.u32 $0xB, v2  }
0x61: {  	[tilespmem:v4+s10+$0x0] =	vst.idx.msk vm0, v1;
	v4 =	vor.u32 $0xC, v2  }
0x62: {  	[tilespmem:v5+s10+$0x0] =	vst.idx.msk vm0, v1;
	v5 =	vor.u32 $0xD, v2  }
0x63: {  	[tilespmem:v6+s10+$0x0] =	vst.idx.msk vm0, v1;
	v6 =	vor.u32 $0xE, v2  }
.Ltmp0:
0x64: {  	v2 =	vor.u32 $0xF, v2;
	[tilespmem:v7+s10+$0x0] =	vst.idx.msk vm0, v1;
	(pc) =	sbr.rel @p0 .LBB2_3-.Ltmp0, $4  }
0x65: {  	[tilespmem:v3+s10+$0x0] =	vst.idx.msk vm0, v1  }
0x66: {  	[tilespmem:v4+s10+$0x0] =	vst.idx.msk vm0, v1  }
0x67: {  	[tilespmem:v5+s10+$0x0] =	vst.idx.msk vm0, v1  }
0x68: {  	[tilespmem:v6+s10+$0x0] =	vst.idx.msk vm0, v1  }
0x69: {  	_ =	sdelay $0x2  }
0x6a: {  	s22 =	sadd.s32 s3, s22;
	s21 =	sadd.s32 $0x1, s21  }
0x6b: {  	s22 =	sshll.u32 s22, $0x1;
	p0 =	sne.s32 s21, $0xD  }
.Ltmp1:
0x6c: {  	[tilespmem:v2+s10+$0x0] =	vst.idx.msk vm0, v1;
	s22 =	sadd.s32 s2, s22;
	(pc) =	sbr.rel @p0 .LBB2_2-.Ltmp1, $4  }
0x6d: {  	[hbm4b:s22+s4] =	stream.linear.scatter [tilespmem:s10], [sflag:$0x2], $0x4000, $0x38;
	[tilespmem:$0x7400] =	vst v63  }
0x6e: {  	_ =	swait.ge [sflag:s8], $0x4000  }
0x6f: {  	[sflag:s8] =	ssyncset.done $0x0  }
0x70: {  	s20 =	sadd.s32 $0x400, s20;
	[sflag:s8] =	ssyncadd.s32 $0xFFFFC000  }
0x71: {  	s19 =	sadd.s32 $0x1, s19  }
0x72: {  	p0 =	sne.s32 s19, s7  }
.Ltmp2:
0x73: {  	_ = 	snop;
	(pc) =	sbr.rel @p0 .LBB2_1-.Ltmp2, $1  }
0x74: {  	_ =	sdelay $0x3  }
0x75: {  	_ =	sfence.sel $0x180000  }
0x76: {  	[bflag:$0x0] =	sbarrier.arrive $0xFFFF  }
0x77: {  	p0 =	sne.s32 s0, $0x0;
	_ =	strace $0x90000047  }
0x78: {  	s0 =	sadd.s32 @!p0 $0x100000, s1;
	[bflag:$0x2] =	sbarrier.arrive $0xFFFF  }
0x79: {  	[sflag:s0] =	ssyncadd.tile.s32 @!p0 $0x1;
	_ =	shalt  }
.Lfunc_end2:
_tile_overlayer_lowered:
.L_overlay_start_2:
0x7a: {  	(tag) =	ssettag $0x2  }
0x7b: {  	s0 =	rddreg [dreg:$0x0];
	s2 =	stileid.u32  }
0x7c: {  	s1 =	rddreg [dreg:$0x1];
	p0 =	sne.s32 s2, $0x0  }
0x7d: {  	s3 =	rddreg [dreg:$0x2];
	[bflag:$0x3] =	sbarrier.arrive $0xFFFF;
	s2 =	simm.s32 @!p0 $0x1C02  }
0x7e: {  	[timem:s3], [sflag:s2] =	dma.local @!p0 [hbm:s0], s1  }
0x7f: {  	s0 =	simm.s32 @!p0 $0x2  }
0x80: {  	_ =	swait.ge @!p0 [sflag:s0], s1  }
0x81: {  	s1 =	ssub.s32 @!p0 $0x0, s1;
	[sflag:s0] =	ssyncset.done @!p0 $0x0  }
0x82: {  	[sflag:s0] =	ssyncadd.s32 @!p0 s1  }
0x83: {  	[bflag:$0x3] =	sbarrier.arrive $0xFFFF  }
0x84: {  	_ =	shalt  }

</sc_bundles>
